<compile_context>
chip_gen: v7x
topology: tpu7x:2x2x1
jax: 0.10.2.dev20260603
libtpu: 0.0.44.dev20260713+nightly
codegen_flags: <defaults>
</compile_context>

<pallas_src>
import dataclasses
import functools

import jax
import jax.numpy as jnp
from jax import lax
from jax.experimental import pallas as pl
from jax.experimental.pallas import tpu as pltpu
from jax.experimental.pallas import tpu_sc as plsc

B = 16
TOTAL = 16384
D_FEAT = 256
D_MODEL = 1024
AUX_OUT = 1
TILE = 2048
NUM_TILES = TOTAL // TILE

L = 16
NW = 16
CHUNK = TOTAL // NW


def _tc_body(ent_ref, we_ref, be_ref, wb_ref, bb_ref, wa_ref, s_ref):
    x = jnp.dot(ent_ref[...], we_ref[...], preferred_element_type=jnp.float32)
    x = jnp.maximum(x + be_ref[...], 0.0)
    h = jnp.dot(x, wb_ref[...], preferred_element_type=jnp.float32)
    h = jnp.maximum(h + bb_ref[...], 0.0)
    s_ref[...] = jnp.dot(h, wa_ref[...], preferred_element_type=jnp.float32)


def _tc_stage(entities, W_embed, b_embed, W_bb, b_bb, W_aux):
    return pl.pallas_call(
        _tc_body,
        grid=(NUM_TILES,),
        in_specs=[
            pl.BlockSpec((TILE, D_FEAT), lambda i: (i, 0)),
            pl.BlockSpec((D_FEAT, D_MODEL), lambda i: (0, 0)),
            pl.BlockSpec((1, D_MODEL), lambda i: (0, 0)),
            pl.BlockSpec((D_MODEL, D_MODEL), lambda i: (0, 0)),
            pl.BlockSpec((1, D_MODEL), lambda i: (0, 0)),
            pl.BlockSpec((D_MODEL, AUX_OUT), lambda i: (0, 0)),
        ],
        out_specs=pl.BlockSpec((TILE, AUX_OUT), lambda i: (i, 0)),
        out_shape=jax.ShapeDtypeStruct((TOTAL, AUX_OUT), jnp.float32),
    )(entities, W_embed, b_embed.reshape(1, D_MODEL), W_bb,
      b_bb.reshape(1, D_MODEL), W_aux)


def _sc_pool(s_flat, bi32, baux_vec):
    mesh = plsc.VectorSubcoreMesh(core_axis_name="c", subcore_axis_name="s",
                                  num_cores=2, num_subcores=16)
    cp = pltpu.CompilerParams()
    if "needs_layout_passes" in pltpu.CompilerParams.__dataclass_fields__:
        cp = dataclasses.replace(cp, needs_layout_passes=False)

    @functools.partial(
        pl.kernel,
        compiler_params=cp,
        out_type=jax.ShapeDtypeStruct((B,), jnp.float32),
        mesh=mesh,
        scratch_types=[
            pltpu.VMEM((CHUNK,), jnp.float32),
            pltpu.VMEM((CHUNK,), jnp.int32),
            pltpu.VMEM((B * L,), jnp.float32),
            pltpu.VMEM((B * L,), jnp.float32),
            pltpu.VMEM((B,), jnp.float32),
            pltpu.VMEM((B,), jnp.float32),
            pltpu.VMEM((B,), jnp.float32),
            pltpu.VMEM((B,), jnp.float32),
            pltpu.VMEM_SHARED((B,), jnp.float32),
            pltpu.VMEM_SHARED((B,), jnp.float32),
        ],
    )
    def _sc_kernel(s_hbm, bi_hbm, baux_hbm, out_hbm,
                   s_v, bi_v, acc_v, cnt_v, tsum_v, tcnt_v, bax_v, out_v,
                   sh_sum, sh_cnt):
        core = lax.axis_index("c")
        sid = lax.axis_index("s")

        @pl.when(core == 0)
        def _():
            base = sid * CHUNK
            pltpu.sync_copy(s_hbm.at[pl.ds(base, CHUNK)], s_v)
            pltpu.sync_copy(bi_hbm.at[pl.ds(base, CHUNK)], bi_v)

            zeros = jnp.zeros((L,), jnp.float32)
            ones = jnp.ones((L,), jnp.float32)
            lane = lax.iota(jnp.int32, L)

            @pl.loop(0, B * L, step=L)
            def _zero(o):
                acc_v[pl.ds(o, L)] = zeros
                cnt_v[pl.ds(o, L)] = zeros

            @pl.loop(0, CHUNK, step=L)
            def _accum(o):
                sv = s_v[pl.ds(o, L)]
                bv = bi_v[pl.ds(o, L)]
                idx = bv * L + lane
                plsc.addupdate_scatter(acc_v, [idx], sv)
                plsc.addupdate_scatter(cnt_v, [idx], ones)

            colbase = lane * L
            sums = zeros
            cnts = zeros
            for k in range(L):
                sums = sums + plsc.load_gather(acc_v, [colbase + k])
                cnts = cnts + plsc.load_gather(cnt_v, [colbase + k])

            @pl.when(sid == 0)
            def _zero_shared():
                out_v[...] = jnp.zeros((L,), jnp.float32)
                pltpu.sync_copy(out_v, sh_sum)
                pltpu.sync_copy(out_v, sh_cnt)

            plsc.subcore_barrier()
            tsum_v[...] = sums
            tcnt_v[...] = cnts
            pltpu.sync_copy(tsum_v, sh_sum.at[lane], add=True)
            pltpu.sync_copy(tcnt_v, sh_cnt.at[lane], add=True)
            plsc.subcore_barrier()

            @pl.when(sid == 0)
            def _final():
                pltpu.sync_copy(sh_sum, tsum_v)
                pltpu.sync_copy(sh_cnt, tcnt_v)
                pltpu.sync_copy(baux_hbm, bax_v)
                res = (tsum_v[...] / jnp.maximum(tcnt_v[...], 1.0)
                       + bax_v[...])
                out_v[...] = res
                pltpu.sync_copy(out_v, out_hbm)

    return _sc_kernel(s_flat, bi32, baux_vec)


@jax.jit
def kernel(entities, batch_index, W_embed, b_embed, W_bb, b_bb, W_aux, b_aux):
    bi32 = batch_index.astype(jnp.int32)
    s = _tc_stage(entities, W_embed, b_embed, W_bb, b_bb, W_aux)
    baux_vec = jnp.broadcast_to(b_aux.astype(jnp.float32), (B,))
    out16 = _sc_pool(s.reshape(TOTAL), bi32, baux_vec)
    return out16.reshape(B, AUX_OUT)

# --- scband reference (transcript-rebuilt; emitter-appended) ---
"""Pipeline reference for scband-actor-8804682957261 (READ-ONLY COPY).

The authoritative reference and input builder live on the scoring server;
editing this copy changes nothing except your own understanding.
"""

import jax, jax.numpy as jnp
import numpy as np

B = 16
TOTAL = 16384
D_FEAT = 256
D_MODEL = 1024
AUX_OUT = 1


def setup_inputs(seed: int = 0) -> dict:
    key = jax.random.key(seed)
    ks = jax.random.split(key, 8)
    entities = jax.random.normal(ks[0], (TOTAL, D_FEAT), dtype=jnp.float32)
    batch_index = jnp.sort(jax.random.randint(ks[1], (TOTAL,), 0, B, dtype=jnp.int64))
    W_embed = jax.random.normal(ks[2], (D_FEAT, D_MODEL), dtype=jnp.float32) * 0.02
    b_embed = jnp.zeros((D_MODEL,), dtype=jnp.float32)
    W_bb = jax.random.normal(ks[3], (D_MODEL, D_MODEL), dtype=jnp.float32) * 0.02
    b_bb = jnp.zeros((D_MODEL,), dtype=jnp.float32)
    W_aux = jax.random.normal(ks[4], (D_MODEL, AUX_OUT), dtype=jnp.float32) * 0.02
    b_aux = jnp.zeros((AUX_OUT,), dtype=jnp.float32)
    return {
        'entities': entities,
        'batch_index': batch_index,
        'W_embed': W_embed,
        'b_embed': b_embed,
        'W_bb': W_bb,
        'b_bb': b_bb,
        'W_aux': W_aux,
        'b_aux': b_aux,
    }


def reference(entities, batch_index, W_embed, b_embed, W_bb, b_bb, W_aux, b_aux):
    # batch_and_embed: per-entity embedding MLP applied to flat ragged tokens
    x = jnp.maximum(entities @ W_embed + b_embed, 0.0)
    # backbone over flat tokens (batch_index carries ragged segment structure)
    h = jnp.maximum(x @ W_bb + b_bb, 0.0)
    # scatter-mean pooling over batch segments (torch_scatter.scatter reduce='mean')
    sums = jax.ops.segment_sum(h, batch_index, num_segments=B)
    counts = jax.ops.segment_sum(jnp.ones((h.shape[0], 1), dtype=h.dtype), batch_index, num_segments=B)
    pooled = sums / jnp.maximum(counts, 1.0)
    # auxiliary head (value)
    aux = pooled @ W_aux + b_aux
    return aux

if __name__ == "__main__":
    import jax
    _d = setup_inputs()
    print(jax.jit(kernel)(*tuple(_d.values())))

</pallas_src>

<mosaic_0001>
#map = affine_map<(d0, d1) -> (0)>
module attributes {stable_mosaic.version = 14 : i64} {
  func.func @_sc_kernel(%arg0: i32, %arg1: i32, %arg2: memref<16384xf32, #tpu.memory_space<hbm>>, %arg3: memref<16384xi32, #tpu.memory_space<hbm>>, %arg4: memref<16xf32, #tpu.memory_space<hbm>>, %arg5: memref<16xf32, #tpu.memory_space<hbm>>, %arg6: memref<1024xf32, #tpu.memory_space<vmem>>, %arg7: memref<1024xi32, #tpu.memory_space<vmem>>, %arg8: memref<256xf32, #tpu.memory_space<vmem>>, %arg9: memref<256xf32, #tpu.memory_space<vmem>>, %arg10: memref<16xf32, #tpu.memory_space<vmem>>, %arg11: memref<16xf32, #tpu.memory_space<vmem>>, %arg12: memref<16xf32, #tpu.memory_space<vmem>>, %arg13: memref<16xf32, #tpu.memory_space<vmem>>, %arg14: memref<16xf32, #tpu.memory_space<vmem_shared>>, %arg15: memref<16xf32, #tpu.memory_space<vmem_shared>>) attributes {dimension_semantics = [#tpu.dimension_semantics<core_parallel>, #tpu.dimension_semantics<subcore_parallel>], iteration_bounds = array<i64: 2, 16>, scalar_prefetch = 0 : i64, scratch_operands = 10 : i64, tpu.core_type = #tpu.core_type<sc_vector_subcore>, window_params = [{transform_indices = #map}, {transform_indices = #map}, {transform_indices = #map}, {transform_indices = #map}]} {
    %eq3A = arith.constant 0 : i32
    %eq3A_0 = arith.cmpi eq, %arg0, %eq3A : i32
    %convert_element_type3A = arith.extui %eq3A_0 : i1 to i32
    %cond3A = arith.constant 0 : i32
    %cond3A_1 = arith.cmpi ne, %convert_element_type3A, %cond3A : i32
    scf.if %cond3A_1 {
      %mul3A = arith.constant 1024 : i32
      %mul3A_2 = arith.muli %arg1, %mul3A : i32
      "tpu.region"() ({
        %run_scoped3A = tpu.sem_alloc : memref<!tpu.dma_semaphore, #tpu.memory_space<semaphore_mem>>
        %dma_start3A = tpu.memref_slice %arg2[%mul3A_2] : memref<16384xf32, #tpu.memory_space<hbm>> -> memref<1024xf32, #tpu.memory_space<hbm>>
        %dma_start3A_190 = tpu.memref_slice %arg2[%mul3A_2] : memref<16384xf32, #tpu.memory_space<hbm>> -> memref<1024xf32, #tpu.memory_space<hbm>>
        tpu.enqueue_dma source(%dma_start3A_190 : memref<1024xf32, #tpu.memory_space<hbm>>) target(%arg6 : memref<1024xf32, #tpu.memory_space<vmem>>) target_semaphore(%run_scoped3A : memref<!tpu.dma_semaphore, #tpu.memory_space<semaphore_mem>>)
        %dma_wait3A = tpu.memref_slice %arg2[%mul3A_2] : memref<16384xf32, #tpu.memory_space<hbm>> -> memref<1024xf32, #tpu.memory_space<hbm>>
        %dma_wait3A_191 = tpu.memref_slice %arg2[%mul3A_2] : memref<16384xf32, #tpu.memory_space<hbm>> -> memref<1024xf32, #tpu.memory_space<hbm>>
        tpu.wait_dma2 semaphore(%run_scoped3A : memref<!tpu.dma_semaphore, #tpu.memory_space<semaphore_mem>>) src(%dma_wait3A_191 : memref<1024xf32, #tpu.memory_space<hbm>>) dst(%arg6 : memref<1024xf32, #tpu.memory_space<vmem>>)
        tpu.yield
      }) : () -> ()
      "tpu.region"() ({
        %run_scoped3A = tpu.sem_alloc : memref<!tpu.dma_semaphore, #tpu.memory_space<semaphore_mem>>
        %dma_start3A = tpu.memref_slice %arg3[%mul3A_2] : memref<16384xi32, #tpu.memory_space<hbm>> -> memref<1024xi32, #tpu.memory_space<hbm>>
        %dma_start3A_190 = tpu.memref_slice %arg3[%mul3A_2] : memref<16384xi32, #tpu.memory_space<hbm>> -> memref<1024xi32, #tpu.memory_space<hbm>>
        tpu.enqueue_dma source(%dma_start3A_190 : memref<1024xi32, #tpu.memory_space<hbm>>) target(%arg7 : memref<1024xi32, #tpu.memory_space<vmem>>) target_semaphore(%run_scoped3A : memref<!tpu.dma_semaphore, #tpu.memory_space<semaphore_mem>>)
        %dma_wait3A = tpu.memref_slice %arg3[%mul3A_2] : memref<16384xi32, #tpu.memory_space<hbm>> -> memref<1024xi32, #tpu.memory_space<hbm>>
        %dma_wait3A_191 = tpu.memref_slice %arg3[%mul3A_2] : memref<16384xi32, #tpu.memory_space<hbm>> -> memref<1024xi32, #tpu.memory_space<hbm>>
        tpu.wait_dma2 semaphore(%run_scoped3A : memref<!tpu.dma_semaphore, #tpu.memory_space<semaphore_mem>>) src(%dma_wait3A_191 : memref<1024xi32, #tpu.memory_space<hbm>>) dst(%arg7 : memref<1024xi32, #tpu.memory_space<vmem>>)
        tpu.yield
      }) : () -> ()
      %broadcast_in_dim3A = arith.constant 0.000000e+00 : f32
      %broadcast_in_dim3A_3 = vector.broadcast %broadcast_in_dim3A : f32 to vector<16xf32>
      %broadcast_in_dim3A_4 = arith.constant 1.000000e+00 : f32
      %broadcast_in_dim3A_5 = vector.broadcast %broadcast_in_dim3A_4 : f32 to vector<16xf32>
      %iota3A = tpu.iota {dimensions = array<i32: 0>} : vector<16xi32>
      %scan3A = arith.constant 0 : i32
      %scan3A_6 = arith.constant 16 : i32
      %scan3A_7 = arith.addi %scan3A, %scan3A_6 : i32
      %scan3A_8 = arith.constant 1 : i32
      scf.for %scan3A_190 = %scan3A to %scan3A_7 step %scan3A_8  : i32 {
        %mul3A_191 = arith.constant 16 : i32
        %mul3A_192 = arith.muli %scan3A_190, %mul3A_191 : i32
        %add3A_193 = arith.constant 0 : i32
        %add3A_194 = arith.addi %add3A_193, %mul3A_192 : i32
        %swap3A_195 = arith.index_cast %add3A_194 : i32 to index
        %swap3A_196 = tpu.vector_load %arg8[%swap3A_195] {strides = array<i32>} : memref<256xf32, #tpu.memory_space<vmem>>, vector<16xf32>,
        tpu.vector_store %arg8[%swap3A_195], %broadcast_in_dim3A_3 {strides = array<i32>} : memref<256xf32, #tpu.memory_space<vmem>>, vector<16xf32>,
        %swap3A_197 = arith.index_cast %add3A_194 : i32 to index
        %swap3A_198 = tpu.vector_load %arg9[%swap3A_197] {strides = array<i32>} : memref<256xf32, #tpu.memory_space<vmem>>, vector<16xf32>,
        tpu.vector_store %arg9[%swap3A_197], %broadcast_in_dim3A_3 {strides = array<i32>} : memref<256xf32, #tpu.memory_space<vmem>>, vector<16xf32>,
      }
      %scan3A_9 = arith.constant 16 : i32
      %scan3A_10 = arith.constant 0 : i32
      %scan3A_11 = arith.constant 64 : i32
      %scan3A_12 = arith.addi %scan3A_10, %scan3A_11 : i32
      %scan3A_13 = arith.constant 1 : i32
      scf.for %scan3A_190 = %scan3A_10 to %scan3A_12 step %scan3A_13  : i32 {
        %mul3A_191 = arith.constant 16 : i32
        %mul3A_192 = arith.muli %scan3A_190, %mul3A_191 : i32
        %add3A_193 = arith.constant 0 : i32
        %add3A_194 = arith.addi %add3A_193, %mul3A_192 : i32
        %get3A = arith.index_cast %add3A_194 : i32 to index
        %get3A_195 = tpu.vector_load %arg6[%get3A] {strides = array<i32>} : memref<1024xf32, #tpu.memory_space<vmem>>, vector<16xf32>,
        %get3A_196 = arith.index_cast %add3A_194 : i32 to index
        %get3A_197 = tpu.vector_load %arg7[%get3A_196] {strides = array<i32>} : memref<1024xi32, #tpu.memory_space<vmem>>, vector<16xi32>,
        %mul3A_198 = arith.constant 16 : i32
        %mul3A_199 = vector.broadcast %mul3A_198 : i32 to vector<16xi32>
        %mul3A_200 = arith.muli %get3A_197, %mul3A_199 : vector<16xi32>
        %add3A_201 = arith.addi %mul3A_200, %iota3A : vector<16xi32>
        tpu.vector_store_idx %arg8[%add3A_201], %get3A_195 {add = true} : memref<256xf32, #tpu.memory_space<vmem>>[vector<16xi32>], vector<16xf32>,
        tpu.vector_store_idx %arg9[%add3A_201], %broadcast_in_dim3A_5 {add = true} : memref<256xf32, #tpu.memory_space<vmem>>[vector<16xi32>], vector<16xf32>,
      }
      %scan3A_14 = arith.constant 64 : i32
      %mul3A_15 = arith.constant 16 : i32
      %mul3A_16 = vector.broadcast %mul3A_15 : i32 to vector<16xi32>
      %mul3A_17 = arith.muli %iota3A, %mul3A_16 : vector<16xi32>
      %add3A = arith.constant 0 : i32
      %add3A_18 = vector.broadcast %add3A : i32 to vector<16xi32>
      %add3A_19 = arith.addi %mul3A_17, %add3A_18 : vector<16xi32>
      %gather3A = tpu.vector_load_idx %arg8[%add3A_19] : memref<256xf32, #tpu.memory_space<vmem>>[vector<16xi32>], vector<16xf32>,
      %add3A_20 = arith.addf %broadcast_in_dim3A_3, %gather3A : vector<16xf32>
      %add3A_21 = arith.constant 0 : i32
      %add3A_22 = vector.broadcast %add3A_21 : i32 to vector<16xi32>
      %add3A_23 = arith.addi %mul3A_17, %add3A_22 : vector<16xi32>
      %gather3A_24 = tpu.vector_load_idx %arg9[%add3A_23] : memref<256xf32, #tpu.memory_space<vmem>>[vector<16xi32>], vector<16xf32>,
      %add3A_25 = arith.addf %broadcast_in_dim3A_3, %gather3A_24 : vector<16xf32>
      %add3A_26 = arith.constant 1 : i32
      %add3A_27 = vector.broadcast %add3A_26 : i32 to vector<16xi32>
      %add3A_28 = arith.addi %mul3A_17, %add3A_27 : vector<16xi32>
      %gather3A_29 = tpu.vector_load_idx %arg8[%add3A_28] : memref<256xf32, #tpu.memory_space<vmem>>[vector<16xi32>], vector<16xf32>,
      %add3A_30 = arith.addf %add3A_20, %gather3A_29 : vector<16xf32>
      %add3A_31 = arith.constant 1 : i32
      %add3A_32 = vector.broadcast %add3A_31 : i32 to vector<16xi32>
      %add3A_33 = arith.addi %mul3A_17, %add3A_32 : vector<16xi32>
      %gather3A_34 = tpu.vector_load_idx %arg9[%add3A_33] : memref<256xf32, #tpu.memory_space<vmem>>[vector<16xi32>], vector<16xf32>,
      %add3A_35 = arith.addf %add3A_25, %gather3A_34 : vector<16xf32>
      %add3A_36 = arith.constant 2 : i32
      %add3A_37 = vector.broadcast %add3A_36 : i32 to vector<16xi32>
      %add3A_38 = arith.addi %mul3A_17, %add3A_37 : vector<16xi32>
      %gather3A_39 = tpu.vector_load_idx %arg8[%add3A_38] : memref<256xf32, #tpu.memory_space<vmem>>[vector<16xi32>], vector<16xf32>,
      %add3A_40 = arith.addf %add3A_30, %gather3A_39 : vector<16xf32>
      %add3A_41 = arith.constant 2 : i32
      %add3A_42 = vector.broadcast %add3A_41 : i32 to vector<16xi32>
      %add3A_43 = arith.addi %mul3A_17, %add3A_42 : vector<16xi32>
      %gather3A_44 = tpu.vector_load_idx %arg9[%add3A_43] : memref<256xf32, #tpu.memory_space<vmem>>[vector<16xi32>], vector<16xf32>,
      %add3A_45 = arith.addf %add3A_35, %gather3A_44 : vector<16xf32>
      %add3A_46 = arith.constant 3 : i32
      %add3A_47 = vector.broadcast %add3A_46 : i32 to vector<16xi32>
      %add3A_48 = arith.addi %mul3A_17, %add3A_47 : vector<16xi32>
      %gather3A_49 = tpu.vector_load_idx %arg8[%add3A_48] : memref<256xf32, #tpu.memory_space<vmem>>[vector<16xi32>], vector<16xf32>,
      %add3A_50 = arith.addf %add3A_40, %gather3A_49 : vector<16xf32>
      %add3A_51 = arith.constant 3 : i32
      %add3A_52 = vector.broadcast %add3A_51 : i32 to vector<16xi32>
      %add3A_53 = arith.addi %mul3A_17, %add3A_52 : vector<16xi32>
      %gather3A_54 = tpu.vector_load_idx %arg9[%add3A_53] : memref<256xf32, #tpu.memory_space<vmem>>[vector<16xi32>], vector<16xf32>,
      %add3A_55 = arith.addf %add3A_45, %gather3A_54 : vector<16xf32>
      %add3A_56 = arith.constant 4 : i32
      %add3A_57 = vector.broadcast %add3A_56 : i32 to vector<16xi32>
      %add3A_58 = arith.addi %mul3A_17, %add3A_57 : vector<16xi32>
      %gather3A_59 = tpu.vector_load_idx %arg8[%add3A_58] : memref<256xf32, #tpu.memory_space<vmem>>[vector<16xi32>], vector<16xf32>,
      %add3A_60 = arith.addf %add3A_50, %gather3A_59 : vector<16xf32>
      %add3A_61 = arith.constant 4 : i32
      %add3A_62 = vector.broadcast %add3A_61 : i32 to vector<16xi32>
      %add3A_63 = arith.addi %mul3A_17, %add3A_62 : vector<16xi32>
      %gather3A_64 = tpu.vector_load_idx %arg9[%add3A_63] : memref<256xf32, #tpu.memory_space<vmem>>[vector<16xi32>], vector<16xf32>,
      %add3A_65 = arith.addf %add3A_55, %gather3A_64 : vector<16xf32>
      %add3A_66 = arith.constant 5 : i32
      %add3A_67 = vector.broadcast %add3A_66 : i32 to vector<16xi32>
      %add3A_68 = arith.addi %mul3A_17, %add3A_67 : vector<16xi32>
      %gather3A_69 = tpu.vector_load_idx %arg8[%add3A_68] : memref<256xf32, #tpu.memory_space<vmem>>[vector<16xi32>], vector<16xf32>,
      %add3A_70 = arith.addf %add3A_60, %gather3A_69 : vector<16xf32>
      %add3A_71 = arith.constant 5 : i32
      %add3A_72 = vector.broadcast %add3A_71 : i32 to vector<16xi32>
      %add3A_73 = arith.addi %mul3A_17, %add3A_72 : vector<16xi32>
      %gather3A_74 = tpu.vector_load_idx %arg9[%add3A_73] : memref<256xf32, #tpu.memory_space<vmem>>[vector<16xi32>], vector<16xf32>,
      %add3A_75 = arith.addf %add3A_65, %gather3A_74 : vector<16xf32>
      %add3A_76 = arith.constant 6 : i32
      %add3A_77 = vector.broadcast %add3A_76 : i32 to vector<16xi32>
      %add3A_78 = arith.addi %mul3A_17, %add3A_77 : vector<16xi32>
      %gather3A_79 = tpu.vector_load_idx %arg8[%add3A_78] : memref<256xf32, #tpu.memory_space<vmem>>[vector<16xi32>], vector<16xf32>,
      %add3A_80 = arith.addf %add3A_70, %gather3A_79 : vector<16xf32>
      %add3A_81 = arith.constant 6 : i32
      %add3A_82 = vector.broadcast %add3A_81 : i32 to vector<16xi32>
      %add3A_83 = arith.addi %mul3A_17, %add3A_82 : vector<16xi32>
      %gather3A_84 = tpu.vector_load_idx %arg9[%add3A_83] : memref<256xf32, #tpu.memory_space<vmem>>[vector<16xi32>], vector<16xf32>,
      %add3A_85 = arith.addf %add3A_75, %gather3A_84 : vector<16xf32>
      %add3A_86 = arith.constant 7 : i32
      %add3A_87 = vector.broadcast %add3A_86 : i32 to vector<16xi32>
      %add3A_88 = arith.addi %mul3A_17, %add3A_87 : vector<16xi32>
      %gather3A_89 = tpu.vector_load_idx %arg8[%add3A_88] : memref<256xf32, #tpu.memory_space<vmem>>[vector<16xi32>], vector<16xf32>,
      %add3A_90 = arith.addf %add3A_80, %gather3A_89 : vector<16xf32>
      %add3A_91 = arith.constant 7 : i32
      %add3A_92 = vector.broadcast %add3A_91 : i32 to vector<16xi32>
      %add3A_93 = arith.addi %mul3A_17, %add3A_92 : vector<16xi32>
      %gather3A_94 = tpu.vector_load_idx %arg9[%add3A_93] : memref<256xf32, #tpu.memory_space<vmem>>[vector<16xi32>], vector<16xf32>,
      %add3A_95 = arith.addf %add3A_85, %gather3A_94 : vector<16xf32>
      %add3A_96 = arith.constant 8 : i32
      %add3A_97 = vector.broadcast %add3A_96 : i32 to vector<16xi32>
      %add3A_98 = arith.addi %mul3A_17, %add3A_97 : vector<16xi32>
      %gather3A_99 = tpu.vector_load_idx %arg8[%add3A_98] : memref<256xf32, #tpu.memory_space<vmem>>[vector<16xi32>], vector<16xf32>,
      %add3A_100 = arith.addf %add3A_90, %gather3A_99 : vector<16xf32>
      %add3A_101 = arith.constant 8 : i32
      %add3A_102 = vector.broadcast %add3A_101 : i32 to vector<16xi32>
      %add3A_103 = arith.addi %mul3A_17, %add3A_102 : vector<16xi32>
      %gather3A_104 = tpu.vector_load_idx %arg9[%add3A_103] : memref<256xf32, #tpu.memory_space<vmem>>[vector<16xi32>], vector<16xf32>,
      %add3A_105 = arith.addf %add3A_95, %gather3A_104 : vector<16xf32>
      %add3A_106 = arith.constant 9 : i32
      %add3A_107 = vector.broadcast %add3A_106 : i32 to vector<16xi32>
      %add3A_108 = arith.addi %mul3A_17, %add3A_107 : vector<16xi32>
      %gather3A_109 = tpu.vector_load_idx %arg8[%add3A_108] : memref<256xf32, #tpu.memory_space<vmem>>[vector<16xi32>], vector<16xf32>,
      %add3A_110 = arith.addf %add3A_100, %gather3A_109 : vector<16xf32>
      %add3A_111 = arith.constant 9 : i32
      %add3A_112 = vector.broadcast %add3A_111 : i32 to vector<16xi32>
      %add3A_113 = arith.addi %mul3A_17, %add3A_112 : vector<16xi32>
      %gather3A_114 = tpu.vector_load_idx %arg9[%add3A_113] : memref<256xf32, #tpu.memory_space<vmem>>[vector<16xi32>], vector<16xf32>,
      %add3A_115 = arith.addf %add3A_105, %gather3A_114 : vector<16xf32>
      %add3A_116 = arith.constant 10 : i32
      %add3A_117 = vector.broadcast %add3A_116 : i32 to vector<16xi32>
      %add3A_118 = arith.addi %mul3A_17, %add3A_117 : vector<16xi32>
      %gather3A_119 = tpu.vector_load_idx %arg8[%add3A_118] : memref<256xf32, #tpu.memory_space<vmem>>[vector<16xi32>], vector<16xf32>,
      %add3A_120 = arith.addf %add3A_110, %gather3A_119 : vector<16xf32>
      %add3A_121 = arith.constant 10 : i32
      %add3A_122 = vector.broadcast %add3A_121 : i32 to vector<16xi32>
      %add3A_123 = arith.addi %mul3A_17, %add3A_122 : vector<16xi32>
      %gather3A_124 = tpu.vector_load_idx %arg9[%add3A_123] : memref<256xf32, #tpu.memory_space<vmem>>[vector<16xi32>], vector<16xf32>,
      %add3A_125 = arith.addf %add3A_115, %gather3A_124 : vector<16xf32>
      %add3A_126 = arith.constant 11 : i32
      %add3A_127 = vector.broadcast %add3A_126 : i32 to vector<16xi32>
      %add3A_128 = arith.addi %mul3A_17, %add3A_127 : vector<16xi32>
      %gather3A_129 = tpu.vector_load_idx %arg8[%add3A_128] : memref<256xf32, #tpu.memory_space<vmem>>[vector<16xi32>], vector<16xf32>,
      %add3A_130 = arith.addf %add3A_120, %gather3A_129 : vector<16xf32>
      %add3A_131 = arith.constant 11 : i32
      %add3A_132 = vector.broadcast %add3A_131 : i32 to vector<16xi32>
      %add3A_133 = arith.addi %mul3A_17, %add3A_132 : vector<16xi32>
      %gather3A_134 = tpu.vector_load_idx %arg9[%add3A_133] : memref<256xf32, #tpu.memory_space<vmem>>[vector<16xi32>], vector<16xf32>,
      %add3A_135 = arith.addf %add3A_125, %gather3A_134 : vector<16xf32>
      %add3A_136 = arith.constant 12 : i32
      %add3A_137 = vector.broadcast %add3A_136 : i32 to vector<16xi32>
      %add3A_138 = arith.addi %mul3A_17, %add3A_137 : vector<16xi32>
      %gather3A_139 = tpu.vector_load_idx %arg8[%add3A_138] : memref<256xf32, #tpu.memory_space<vmem>>[vector<16xi32>], vector<16xf32>,
      %add3A_140 = arith.addf %add3A_130, %gather3A_139 : vector<16xf32>
      %add3A_141 = arith.constant 12 : i32
      %add3A_142 = vector.broadcast %add3A_141 : i32 to vector<16xi32>
      %add3A_143 = arith.addi %mul3A_17, %add3A_142 : vector<16xi32>
      %gather3A_144 = tpu.vector_load_idx %arg9[%add3A_143] : memref<256xf32, #tpu.memory_space<vmem>>[vector<16xi32>], vector<16xf32>,
      %add3A_145 = arith.addf %add3A_135, %gather3A_144 : vector<16xf32>
      %add3A_146 = arith.constant 13 : i32
      %add3A_147 = vector.broadcast %add3A_146 : i32 to vector<16xi32>
      %add3A_148 = arith.addi %mul3A_17, %add3A_147 : vector<16xi32>
      %gather3A_149 = tpu.vector_load_idx %arg8[%add3A_148] : memref<256xf32, #tpu.memory_space<vmem>>[vector<16xi32>], vector<16xf32>,
      %add3A_150 = arith.addf %add3A_140, %gather3A_149 : vector<16xf32>
      %add3A_151 = arith.constant 13 : i32
      %add3A_152 = vector.broadcast %add3A_151 : i32 to vector<16xi32>
      %add3A_153 = arith.addi %mul3A_17, %add3A_152 : vector<16xi32>
      %gather3A_154 = tpu.vector_load_idx %arg9[%add3A_153] : memref<256xf32, #tpu.memory_space<vmem>>[vector<16xi32>], vector<16xf32>,
      %add3A_155 = arith.addf %add3A_145, %gather3A_154 : vector<16xf32>
      %add3A_156 = arith.constant 14 : i32
      %add3A_157 = vector.broadcast %add3A_156 : i32 to vector<16xi32>
      %add3A_158 = arith.addi %mul3A_17, %add3A_157 : vector<16xi32>
      %gather3A_159 = tpu.vector_load_idx %arg8[%add3A_158] : memref<256xf32, #tpu.memory_space<vmem>>[vector<16xi32>], vector<16xf32>,
      %add3A_160 = arith.addf %add3A_150, %gather3A_159 : vector<16xf32>
      %add3A_161 = arith.constant 14 : i32
      %add3A_162 = vector.broadcast %add3A_161 : i32 to vector<16xi32>
      %add3A_163 = arith.addi %mul3A_17, %add3A_162 : vector<16xi32>
      %gather3A_164 = tpu.vector_load_idx %arg9[%add3A_163] : memref<256xf32, #tpu.memory_space<vmem>>[vector<16xi32>], vector<16xf32>,
      %add3A_165 = arith.addf %add3A_155, %gather3A_164 : vector<16xf32>
      %add3A_166 = arith.constant 15 : i32
      %add3A_167 = vector.broadcast %add3A_166 : i32 to vector<16xi32>
      %add3A_168 = arith.addi %mul3A_17, %add3A_167 : vector<16xi32>
      %gather3A_169 = tpu.vector_load_idx %arg8[%add3A_168] : memref<256xf32, #tpu.memory_space<vmem>>[vector<16xi32>], vector<16xf32>,
      %add3A_170 = arith.addf %add3A_160, %gather3A_169 : vector<16xf32>
      %add3A_171 = arith.constant 15 : i32
      %add3A_172 = vector.broadcast %add3A_171 : i32 to vector<16xi32>
      %add3A_173 = arith.addi %mul3A_17, %add3A_172 : vector<16xi32>
      %gather3A_174 = tpu.vector_load_idx %arg9[%add3A_173] : memref<256xf32, #tpu.memory_space<vmem>>[vector<16xi32>], vector<16xf32>,
      %add3A_175 = arith.addf %add3A_165, %gather3A_174 : vector<16xf32>
      %eq3A_176 = arith.constant 0 : i32
      %eq3A_177 = arith.cmpi eq, %arg1, %eq3A_176 : i32
      %convert_element_type3A_178 = arith.extui %eq3A_177 : i1 to i32
      %cond3A_179 = arith.constant 0 : i32
      %cond3A_180 = arith.cmpi ne, %convert_element_type3A_178, %cond3A_179 : i32
      scf.if %cond3A_180 {
        %broadcast_in_dim3A_190 = arith.constant 0.000000e+00 : f32
        %broadcast_in_dim3A_191 = vector.broadcast %broadcast_in_dim3A_190 : f32 to vector<16xf32>
        %swap3A_192 = arith.constant 0 : index
        %swap3A_193 = tpu.vector_load %arg13[%swap3A_192] {strides = array<i32>} : memref<16xf32, #tpu.memory_space<vmem>>, vector<16xf32>,
        tpu.vector_store %arg13[%swap3A_192], %broadcast_in_dim3A_191 {strides = array<i32>} : memref<16xf32, #tpu.memory_space<vmem>>, vector<16xf32>,
        "tpu.region"() ({
          %run_scoped3A = tpu.sem_alloc : memref<!tpu.dma_semaphore, #tpu.memory_space<semaphore_mem>>
          tpu.enqueue_dma source(%arg13 : memref<16xf32, #tpu.memory_space<vmem>>) target(%arg14 : memref<16xf32, #tpu.memory_space<vmem_shared>>) target_semaphore(%run_scoped3A : memref<!tpu.dma_semaphore, #tpu.memory_space<semaphore_mem>>)
          tpu.wait_dma2 semaphore(%run_scoped3A : memref<!tpu.dma_semaphore, #tpu.memory_space<semaphore_mem>>) src(%arg13 : memref<16xf32, #tpu.memory_space<vmem>>) dst(%arg14 : memref<16xf32, #tpu.memory_space<vmem_shared>>)
          tpu.yield
        }) : () -> ()
        "tpu.region"() ({
          %run_scoped3A = tpu.sem_alloc : memref<!tpu.dma_semaphore, #tpu.memory_space<semaphore_mem>>
          tpu.enqueue_dma source(%arg13 : memref<16xf32, #tpu.memory_space<vmem>>) target(%arg15 : memref<16xf32, #tpu.memory_space<vmem_shared>>) target_semaphore(%run_scoped3A : memref<!tpu.dma_semaphore, #tpu.memory_space<semaphore_mem>>)
          tpu.wait_dma2 semaphore(%run_scoped3A : memref<!tpu.dma_semaphore, #tpu.memory_space<semaphore_mem>>) src(%arg13 : memref<16xf32, #tpu.memory_space<vmem>>) dst(%arg15 : memref<16xf32, #tpu.memory_space<vmem_shared>>)
          tpu.yield
        }) : () -> ()
      } else {
      }
      %barrier3A = arith.constant 0 : index
      tpu.barrier barrier_id(%barrier3A)
      %swap3A = arith.constant 0 : index
      %swap3A_181 = tpu.vector_load %arg10[%swap3A] {strides = array<i32>} : memref<16xf32, #tpu.memory_space<vmem>>, vector<16xf32>,
      tpu.vector_store %arg10[%swap3A], %add3A_170 {strides = array<i32>} : memref<16xf32, #tpu.memory_space<vmem>>, vector<16xf32>,
      %swap3A_182 = arith.constant 0 : index
      %swap3A_183 = tpu.vector_load %arg11[%swap3A_182] {strides = array<i32>} : memref<16xf32, #tpu.memory_space<vmem>>, vector<16xf32>,
      tpu.vector_store %arg11[%swap3A_182], %add3A_175 {strides = array<i32>} : memref<16xf32, #tpu.memory_space<vmem>>, vector<16xf32>,
      "tpu.region"() ({
        %run_scoped3A = tpu.sem_alloc : memref<!tpu.dma_semaphore, #tpu.memory_space<semaphore_mem>>
        %dma_start3A = arith.constant 0 : i32
        %dma_start3A_190 = tpu.memref_slice %arg14[%dma_start3A] : memref<16xf32, #tpu.memory_space<vmem_shared>> -> memref<16xf32, #tpu.memory_space<vmem_shared>>
        tpu.enqueue_indirect_dma source(%arg10 : memref<16xf32, #tpu.memory_space<vmem>>) target(%dma_start3A_190 : memref<16xf32, #tpu.memory_space<vmem_shared>>) offsets(%iota3A : vector<16xi32>) semaphore(%run_scoped3A : memref<!tpu.dma_semaphore, #tpu.memory_space<semaphore_mem>>) {add = true}
        %dma_wait3A = arith.constant 0 : i32
        %dma_wait3A_191 = tpu.memref_slice %arg14[%dma_wait3A] : memref<16xf32, #tpu.memory_space<vmem_shared>> -> memref<16xf32, #tpu.memory_space<vmem_shared>>
        tpu.wait_indirect_dma semaphore(%run_scoped3A : memref<!tpu.dma_semaphore, #tpu.memory_space<semaphore_mem>>) src(%arg10 : memref<16xf32, #tpu.memory_space<vmem>>) dst(%dma_wait3A_191 : memref<16xf32, #tpu.memory_space<vmem_shared>>)
        tpu.yield
      }) : () -> ()
      "tpu.region"() ({
        %run_scoped3A = tpu.sem_alloc : memref<!tpu.dma_semaphore, #tpu.memory_space<semaphore_mem>>
        %dma_start3A = arith.constant 0 : i32
        %dma_start3A_190 = tpu.memref_slice %arg15[%dma_start3A] : memref<16xf32, #tpu.memory_space<vmem_shared>> -> memref<16xf32, #tpu.memory_space<vmem_shared>>
        tpu.enqueue_indirect_dma source(%arg11 : memref<16xf32, #tpu.memory_space<vmem>>) target(%dma_start3A_190 : memref<16xf32, #tpu.memory_space<vmem_shared>>) offsets(%iota3A : vector<16xi32>) semaphore(%run_scoped3A : memref<!tpu.dma_semaphore, #tpu.memory_space<semaphore_mem>>) {add = true}
        %dma_wait3A = arith.constant 0 : i32
        %dma_wait3A_191 = tpu.memref_slice %arg15[%dma_wait3A] : memref<16xf32, #tpu.memory_space<vmem_shared>> -> memref<16xf32, #tpu.memory_space<vmem_shared>>
        tpu.wait_indirect_dma semaphore(%run_scoped3A : memref<!tpu.dma_semaphore, #tpu.memory_space<semaphore_mem>>) src(%arg11 : memref<16xf32, #tpu.memory_space<vmem>>) dst(%dma_wait3A_191 : memref<16xf32, #tpu.memory_space<vmem_shared>>)
        tpu.yield
      }) : () -> ()
      %barrier3A_184 = arith.constant 0 : index
      tpu.barrier barrier_id(%barrier3A_184)
      %eq3A_185 = arith.constant 0 : i32
      %eq3A_186 = arith.cmpi eq, %arg1, %eq3A_185 : i32
      %convert_element_type3A_187 = arith.extui %eq3A_186 : i1 to i32
      %cond3A_188 = arith.constant 0 : i32
      %cond3A_189 = arith.cmpi ne, %convert_element_type3A_187, %cond3A_188 : i32
      scf.if %cond3A_189 {
        "tpu.region"() ({
          %run_scoped3A = tpu.sem_alloc : memref<!tpu.dma_semaphore, #tpu.memory_space<semaphore_mem>>
          tpu.enqueue_dma source(%arg14 : memref<16xf32, #tpu.memory_space<vmem_shared>>) target(%arg10 : memref<16xf32, #tpu.memory_space<vmem>>) target_semaphore(%run_scoped3A : memref<!tpu.dma_semaphore, #tpu.memory_space<semaphore_mem>>)
          tpu.wait_dma2 semaphore(%run_scoped3A : memref<!tpu.dma_semaphore, #tpu.memory_space<semaphore_mem>>) src(%arg14 : memref<16xf32, #tpu.memory_space<vmem_shared>>) dst(%arg10 : memref<16xf32, #tpu.memory_space<vmem>>)
          tpu.yield
        }) : () -> ()
        "tpu.region"() ({
          %run_scoped3A = tpu.sem_alloc : memref<!tpu.dma_semaphore, #tpu.memory_space<semaphore_mem>>
          tpu.enqueue_dma source(%arg15 : memref<16xf32, #tpu.memory_space<vmem_shared>>) target(%arg11 : memref<16xf32, #tpu.memory_space<vmem>>) target_semaphore(%run_scoped3A : memref<!tpu.dma_semaphore, #tpu.memory_space<semaphore_mem>>)
          tpu.wait_dma2 semaphore(%run_scoped3A : memref<!tpu.dma_semaphore, #tpu.memory_space<semaphore_mem>>) src(%arg15 : memref<16xf32, #tpu.memory_space<vmem_shared>>) dst(%arg11 : memref<16xf32, #tpu.memory_space<vmem>>)
          tpu.yield
        }) : () -> ()
        "tpu.region"() ({
          %run_scoped3A = tpu.sem_alloc : memref<!tpu.dma_semaphore, #tpu.memory_space<semaphore_mem>>
          tpu.enqueue_dma source(%arg4 : memref<16xf32, #tpu.memory_space<hbm>>) target(%arg12 : memref<16xf32, #tpu.memory_space<vmem>>) target_semaphore(%run_scoped3A : memref<!tpu.dma_semaphore, #tpu.memory_space<semaphore_mem>>)
          tpu.wait_dma2 semaphore(%run_scoped3A : memref<!tpu.dma_semaphore, #tpu.memory_space<semaphore_mem>>) src(%arg4 : memref<16xf32, #tpu.memory_space<hbm>>) dst(%arg12 : memref<16xf32, #tpu.memory_space<vmem>>)
          tpu.yield
        }) : () -> ()
        %get3A = arith.constant 0 : index
        %get3A_190 = tpu.vector_load %arg10[%get3A] {strides = array<i32>} : memref<16xf32, #tpu.memory_space<vmem>>, vector<16xf32>,
        %get3A_191 = arith.constant 0 : index
        %get3A_192 = tpu.vector_load %arg11[%get3A_191] {strides = array<i32>} : memref<16xf32, #tpu.memory_space<vmem>>, vector<16xf32>,
        %max3A = arith.constant 1.000000e+00 : f32
        %max3A_193 = vector.broadcast %max3A : f32 to vector<16xf32>
        %max3A_194 = arith.maximumf %get3A_192, %max3A_193 : vector<16xf32>
        %div3A = arith.divf %get3A_190, %max3A_194 : vector<16xf32>
        %get3A_195 = arith.constant 0 : index
        %get3A_196 = tpu.vector_load %arg12[%get3A_195] {strides = array<i32>} : memref<16xf32, #tpu.memory_space<vmem>>, vector<16xf32>,
        %add3A_197 = arith.addf %div3A, %get3A_196 : vector<16xf32>
        %swap3A_198 = arith.constant 0 : index
        %swap3A_199 = tpu.vector_load %arg13[%swap3A_198] {strides = array<i32>} : memref<16xf32, #tpu.memory_space<vmem>>, vector<16xf32>,
        tpu.vector_store %arg13[%swap3A_198], %add3A_197 {strides = array<i32>} : memref<16xf32, #tpu.memory_space<vmem>>, vector<16xf32>,
        "tpu.region"() ({
          %run_scoped3A = tpu.sem_alloc : memref<!tpu.dma_semaphore, #tpu.memory_space<semaphore_mem>>
          tpu.enqueue_dma source(%arg13 : memref<16xf32, #tpu.memory_space<vmem>>) target(%arg5 : memref<16xf32, #tpu.memory_space<hbm>>) target_semaphore(%run_scoped3A : memref<!tpu.dma_semaphore, #tpu.memory_space<semaphore_mem>>)
          tpu.wait_dma2 semaphore(%run_scoped3A : memref<!tpu.dma_semaphore, #tpu.memory_space<semaphore_mem>>) src(%arg13 : memref<16xf32, #tpu.memory_space<vmem>>) dst(%arg5 : memref<16xf32, #tpu.memory_space<hbm>>)
          tpu.yield
        }) : () -> ()
      } else {
      }
    } else {
    }
    return
  }
}

module attributes {stable_mosaic.version = 14 : i64} {
  func.func @_tc_body(%arg0: i32, %arg1: memref<2048x256xf32, #tpu.memory_space<vmem>>, %arg2: memref<256x1024xf32, #tpu.memory_space<vmem>>, %arg3: memref<1x1024xf32, #tpu.memory_space<vmem>>, %arg4: memref<1024x1024xf32, #tpu.memory_space<vmem>>, %arg5: memref<1x1024xf32, #tpu.memory_space<vmem>>, %arg6: memref<1024x1xf32, #tpu.memory_space<vmem>>, %arg7: memref<2048x1xf32, #tpu.memory_space<vmem>>) attributes {dimension_semantics = [#tpu.dimension_semantics<arbitrary>], iteration_bounds = array<i64: 8>, scalar_prefetch = 0 : i64, scratch_operands = 0 : i64, tpu.core_type = #tpu.core_type<tc>, window_params = [{transform_indices = @transform_0, window_bounds = array<i64: 2048, 256>}, {pipeline_mode = #tpu.pipeline_mode<synchronous>, transform_indices = @transform_1, window_bounds = array<i64: 256, 1024>}, {pipeline_mode = #tpu.pipeline_mode<synchronous>, transform_indices = @transform_2, window_bounds = array<i64: 1, 1024>}, {pipeline_mode = #tpu.pipeline_mode<synchronous>, transform_indices = @transform_3, window_bounds = array<i64: 1024, 1024>}, {pipeline_mode = #tpu.pipeline_mode<synchronous>, transform_indices = @transform_4, window_bounds = array<i64: 1, 1024>}, {pipeline_mode = #tpu.pipeline_mode<synchronous>, transform_indices = @transform_5, window_bounds = array<i64: 1024, 1>}, {transform_indices = @transform_6, window_bounds = array<i64: 2048, 1>}]} {
    %get3A = arith.constant 0 : index
    %get3A_0 = arith.constant 0 : index
    %get3A_1 = vector.load %arg1[%get3A, %get3A_0] : memref<2048x256xf32, #tpu.memory_space<vmem>>, vector<2048x256xf32>
    %get3A_2 = arith.constant 0 : index
    %get3A_3 = arith.constant 0 : index
    %get3A_4 = vector.load %arg2[%get3A_2, %get3A_3] : memref<256x1024xf32, #tpu.memory_space<vmem>>, vector<256x1024xf32>
    %dot_general3A = arith.constant dense<0.000000e+00> : vector<2048x1024xf32>
    %dot_general3A_5 = tpu.matmul %get3A_1, %get3A_4, %dot_general3A {dimension_numbers = #tpu.dot_dimension_numbers<[1], [0], [0], [1], [0, 0, 1, 1], [], []>, transpose_lhs_hint = false} : vector<2048x256xf32>, vector<256x1024xf32>, vector<2048x1024xf32> -> vector<2048x1024xf32>
    %get3A_6 = arith.constant 0 : index
    %get3A_7 = arith.constant 0 : index
    %get3A_8 = vector.load %arg3[%get3A_6, %get3A_7] : memref<1x1024xf32, #tpu.memory_space<vmem>>, vector<1x1024xf32>
    %add3A = vector.broadcast %get3A_8 : vector<1x1024xf32> to vector<2048x1024xf32>
    %add3A_9 = arith.addf %dot_general3A_5, %add3A : vector<2048x1024xf32>
    %max3A = arith.constant 0.000000e+00 : f32
    %max3A_10 = vector.broadcast %max3A : f32 to vector<2048x1024xf32>
    %max3A_11 = arith.maximumf %add3A_9, %max3A_10 : vector<2048x1024xf32>
    %get3A_12 = arith.constant 0 : index
    %get3A_13 = arith.constant 0 : index
    %get3A_14 = vector.load %arg4[%get3A_12, %get3A_13] : memref<1024x1024xf32, #tpu.memory_space<vmem>>, vector<1024x1024xf32>
    %dot_general3A_15 = arith.constant dense<0.000000e+00> : vector<2048x1024xf32>
    %dot_general3A_16 = tpu.matmul %max3A_11, %get3A_14, %dot_general3A_15 {dimension_numbers = #tpu.dot_dimension_numbers<[1], [0], [0], [1], [0, 0, 1, 1], [], []>, transpose_lhs_hint = false} : vector<2048x1024xf32>, vector<1024x1024xf32>, vector<2048x1024xf32> -> vector<2048x1024xf32>
    %get3A_17 = arith.constant 0 : index
    %get3A_18 = arith.constant 0 : index
    %get3A_19 = vector.load %arg5[%get3A_17, %get3A_18] : memref<1x1024xf32, #tpu.memory_space<vmem>>, vector<1x1024xf32>
    %add3A_20 = vector.broadcast %get3A_19 : vector<1x1024xf32> to vector<2048x1024xf32>
    %add3A_21 = arith.addf %dot_general3A_16, %add3A_20 : vector<2048x1024xf32>
    %max3A_22 = arith.constant 0.000000e+00 : f32
    %max3A_23 = vector.broadcast %max3A_22 : f32 to vector<2048x1024xf32>
    %max3A_24 = arith.maximumf %add3A_21, %max3A_23 : vector<2048x1024xf32>
    %get3A_25 = arith.constant 0 : index
    %get3A_26 = arith.constant 0 : index
    %get3A_27 = vector.load %arg6[%get3A_25, %get3A_26] : memref<1024x1xf32, #tpu.memory_space<vmem>>, vector<1024x1xf32>
    %dot_general3A_28 = arith.constant dense<0.000000e+00> : vector<2048x1xf32>
    %dot_general3A_29 = tpu.matmul %max3A_24, %get3A_27, %dot_general3A_28 {dimension_numbers = #tpu.dot_dimension_numbers<[1], [0], [0], [1], [0, 0, 1, 1], [], []>, transpose_lhs_hint = false} : vector<2048x1024xf32>, vector<1024x1xf32>, vector<2048x1xf32> -> vector<2048x1xf32>
    %swap3A = arith.constant 0 : index
    %swap3A_30 = arith.constant 0 : index
    %swap3A_31 = vector.load %arg7[%swap3A, %swap3A_30] : memref<2048x1xf32, #tpu.memory_space<vmem>>, vector<2048x1xf32>
    tpu.vector_store %arg7[%swap3A, %swap3A_30], %dot_general3A_29 {strides = array<i32>} : memref<2048x1xf32, #tpu.memory_space<vmem>>, vector<2048x1xf32>,
    return
  }
  func.func @transform_0(%arg0: i32) -> (i32, i32) {
    %c0_i32 = arith.constant 0 : i32
    %c0_i32_0 = arith.constant 0 : i32
    return %arg0, %c0_i32 : i32, i32
  }
  func.func @transform_1(%arg0: i32) -> (i32, i32) {
    %c0_i32 = arith.constant 0 : i32
    %c0_i32_0 = arith.constant 0 : i32
    %c0_i32_1 = arith.constant 0 : i32
    return %c0_i32, %c0_i32_0 : i32, i32
  }
  func.func @transform_2(%arg0: i32) -> (i32, i32) {
    %c0_i32 = arith.constant 0 : i32
    %c0_i32_0 = arith.constant 0 : i32
    %c0_i32_1 = arith.constant 0 : i32
    return %c0_i32, %c0_i32_0 : i32, i32
  }
  func.func @transform_3(%arg0: i32) -> (i32, i32) {
    %c0_i32 = arith.constant 0 : i32
    %c0_i32_0 = arith.constant 0 : i32
    %c0_i32_1 = arith.constant 0 : i32
    return %c0_i32, %c0_i32_0 : i32, i32
  }
  func.func @transform_4(%arg0: i32) -> (i32, i32) {
    %c0_i32 = arith.constant 0 : i32
    %c0_i32_0 = arith.constant 0 : i32
    %c0_i32_1 = arith.constant 0 : i32
    return %c0_i32, %c0_i32_0 : i32, i32
  }
  func.func @transform_5(%arg0: i32) -> (i32, i32) {
    %c0_i32 = arith.constant 0 : i32
    %c0_i32_0 = arith.constant 0 : i32
    %c0_i32_1 = arith.constant 0 : i32
    return %c0_i32, %c0_i32_0 : i32, i32
  }
  func.func @transform_6(%arg0: i32) -> (i32, i32) {
    %c0_i32 = arith.constant 0 : i32
    %c0_i32_0 = arith.constant 0 : i32
    return %arg0, %c0_i32 : i32, i32
  }
}

</mosaic_0001>

<sc_bundles>
// kernel: kernel.4.cloned.1.call-start
scs
__scs_entry_jumppad:
0x0: {  	(pc) =	sbr.rel $0x88, $3  }
0x1: {  	(tag) =	ssettag $0x0;
	lr =	simm.s32 $0x1  }
0x2: {  	[smem:$0x3F99] =	sst lr;
	_ =	strace $0xD0000000  }
0x3: {  	_ = 	snop  }
0x4: {  	_ = 	snop  }
0x5: {  	_ = 	snop  }
0x6: {  	_ = 	snop  }
0x7: {  	_ = 	snop  }
__scs_overlays_trampoline_lowered:
0x8: {  	[smem:$0x3FA8] =	sst s0  }
0x9: {  	[smem:$0x3FA9] =	sst s1  }
0xa: {  	[smem:$0x3FAA] =	sst s2  }
0xb: {  	[smem:$0x3FAB] =	sst s3  }
0xc: {  	[smem:$0x3FAC] =	sst s4  }
0xd: {  	[smem:$0x3FAD] =	sst s5  }
0xe: {  	[smem:$0x3FAE] =	sst s6  }
0xf: {  	[smem:$0x3FAF] =	sst s7  }
0x10: {  	[smem:$0x3FB0] =	sst s8  }
0x11: {  	[smem:$0x3FB1] =	sst s9;
	s0 =	simm.s32 @!p0 $0x0  }
0x12: {  	s1 =	sld [smem:$0x3F97];
	s0 =	simm.s32 @p0 $0x1  }
0x13: {  	[smem:$0x3FB2] =	sst s0;
	s0 =	simm.s32 @!p1 $0x0  }
0x14: {  	s2 =	sld [smem:$0x3F96];
	s0 =	simm.s32 @p1 $0x1  }
0x15: {  	[smem:$0x3FB3] =	sst s0;
	s0 =	simm.s32 @!p2 $0x0  }
0x16: {  	s3 =	sld [smem:$0x3FDB];
	s0 =	simm.s32 @p2 $0x1  }
0x17: {  	s4 =	simm.s32 $0x1BF5;
	[smem:$0x3FB5] =	sst s0  }
0x18: {  	s0 =	sld [smem:$0x3F98];
	_ =	swait.ge [sflag:s4], $0x0  }
0x19: {  	s7 =	sld [smem:$0x3F99]  }
0x1a: {  	s8 =	sadd.s32 $0xFFFFE003, lr  }
0x1b: {  	s9 =	sadd.s32 $0xFFFFFEF7, lr;
	s5 =	simm.s32 $0xFFFFFFFF;
	p2 =	slt.u32 s8, $0xFFFFF086  }
0x1c: {  	p1 =	slt.u32 s9, $0xF7A;
	s5 =	simm.s32 @!p2 $0x0  }
0x1d: {  	s5 =	simm.s32 @p1 $0x1;
	p0 =	seq.s32 s7, s2  }
0x1e: {  	s7 =	smul.u32 @!p0 $0xF7A, s2;
	p2 =	seq.s32 @!p0 s5, $0x0  }
0x1f: {  	s9 =	smul.u32 $0xF7A, s1;
	s8 =	simm.s32 @!p0 $0x1BF5;
	p2 =	por !p2, p0  }
0x20: {  	[sflag:s8] =	ssyncset.s32 @!p0 $0xFFFFF086;
	s6 =	sadd.s32 @!p0 s3, s7;
	s7 =	simm.s32 @!p0 $0x108  }
0x21: {  	s3 =	sadd.s32 s3, s9;
	s6 =	sadd.s32 @!p0 $0x88, s6;
	s7 =	simm.s32 @p2 $0x1082  }
0x22: {  	[simem:s7], [sflag:s8] =	dma.local @!p0 [hbm:s6], $0xF7A  }
0x23: {  	s9 =	sor.u32 $0xD0000000, s2;
	s6 =	simm.s32 $0x108;
	_ =	swait.ge @!p0 [sflag:s8], $0x0  }
0x24: {  	s3 =	sadd.s32 $0x88, s3;
	s6 =	simm.s32 @!p1 $0x1082;
	[sflag:s4] =	ssyncset.s32 $0xFFFFF086  }
0x25: {  	[simem:s6], [sflag:s4] =	dma.local [hbm:s3], $0xF7A  }
0x26: {  	[smem:$0x3F99] =	sst s1;
	(tag) =	ssettag s2;
	_ =	strace s9  }
0x27: {  	s1 =	sld [smem:$0x3FA9]  }
0x28: {  	s2 =	sld [smem:$0x3FAA]  }
0x29: {  	s4 =	sld [smem:$0x3FAC]  }
0x2a: {  	p0 =	seq.s32 s5, $0x0;
	s5 =	sld [smem:$0x3FAD]  }
0x2b: {  	s6 =	sld [smem:$0x3FAE]  }
0x2c: {  	s7 =	sld [smem:$0x3FAF]  }
0x2d: {  	s3 =	simm.s32 $0x108;
	s8 =	sld [smem:$0x3FB0]  }
0x2e: {  	s3 =	simm.s32 @!p0 $0x1082;
	s9 =	sld [smem:$0x3FB1]  }
0x2f: {  	lr =	sadd.s32 s0, s3;
	s0 =	sld [smem:$0x3FA8]  }
0x30: {  	s3 =	sld [smem:$0x3FAB]  }
0x31: {  	[smem:$0x3FB4] =	sst s10  }
0x32: {  	s10 =	sld [smem:$0x3FB2];
	_ =	sdelay $0x3  }
0x33: {  	p0 =	seq.s32 s10, $0x1;
	s10 =	sld [smem:$0x3FB4];
	_ =	sdelay $0x3  }
0x34: {  	[smem:$0x3FB4] =	sst s10  }
0x35: {  	s10 =	sld [smem:$0x3FB3];
	_ =	sdelay $0x3  }
0x36: {  	p1 =	seq.s32 s10, $0x1;
	s10 =	sld [smem:$0x3FB4];
	_ =	sdelay $0x3  }
0x37: {  	[smem:$0x3FB4] =	sst s10  }
0x38: {  	s10 =	sld [smem:$0x3FB5]  }
0x39: {  	_ = 	snop;
	(pc) =	sbr.ind lr, $3  }
0x3a: {  	_ = 	snop  }
0x3b: {  	_ = 	snop  }
0x3c: {  	p2 =	seq.s32 s10, $0x1;
	s10 =	sld [smem:$0x3FB4]  }
0x3d: {  	_ =	shalt  }
0x3e: {  	_ =	shalt  }
0x3f: {  	_ =	shalt  }
0x40: {  	_ =	shalt  }
0x41: {  	_ =	shalt  }
0x42: {  	_ =	shalt  }
0x43: {  	_ =	shalt  }
0x44: {  	_ =	shalt  }
0x45: {  	_ =	shalt  }
0x46: {  	_ =	shalt  }
0x47: {  	_ =	shalt  }
0x48: {  	_ =	shalt  }
0x49: {  	_ =	shalt  }
0x4a: {  	_ =	shalt  }
0x4b: {  	_ =	shalt  }
0x4c: {  	_ =	shalt  }
0x4d: {  	_ =	shalt  }
0x4e: {  	_ =	shalt  }
0x4f: {  	_ =	shalt  }
0x50: {  	_ =	shalt  }
0x51: {  	_ =	shalt  }
0x52: {  	_ =	shalt  }
0x53: {  	_ =	shalt  }
0x54: {  	_ =	shalt  }
0x55: {  	_ =	shalt  }
0x56: {  	_ =	shalt  }
0x57: {  	_ =	shalt  }
0x58: {  	_ =	shalt  }
0x59: {  	_ =	shalt  }
0x5a: {  	_ =	shalt  }
0x5b: {  	_ =	shalt  }
0x5c: {  	_ =	shalt  }
0x5d: {  	_ =	shalt  }
0x5e: {  	_ =	shalt  }
0x5f: {  	_ =	shalt  }
0x60: {  	_ =	shalt  }
0x61: {  	_ =	shalt  }
0x62: {  	_ =	shalt  }
0x63: {  	_ =	shalt  }
0x64: {  	_ =	shalt  }
0x65: {  	_ =	shalt  }
0x66: {  	_ =	shalt  }
0x67: {  	_ =	shalt  }
0x68: {  	_ =	shalt  }
0x69: {  	_ =	shalt  }
0x6a: {  	_ =	shalt  }
0x6b: {  	_ =	shalt  }
0x6c: {  	_ =	shalt  }
0x6d: {  	_ =	shalt  }
0x6e: {  	_ =	shalt  }
0x6f: {  	_ =	shalt  }
0x70: {  	_ =	shalt  }
0x71: {  	_ =	shalt  }
0x72: {  	_ =	shalt  }
0x73: {  	_ =	shalt  }
0x74: {  	_ =	shalt  }
0x75: {  	_ =	shalt  }
0x76: {  	_ =	shalt  }
0x77: {  	_ =	shalt  }
0x78: {  	_ =	shalt  }
0x79: {  	_ =	shalt  }
0x7a: {  	_ =	shalt  }
0x7b: {  	_ =	shalt  }
0x7c: {  	_ =	shalt  }
0x7d: {  	_ =	shalt  }
0x7e: {  	_ =	shalt  }
0x7f: {  	_ =	shalt  }
0x80: {  	_ =	shalt  }
0x81: {  	_ =	shalt  }
0x82: {  	_ =	shalt  }
0x83: {  	_ =	shalt  }
0x84: {  	_ =	shalt  }
0x85: {  	_ =	shalt  }
0x86: {  	_ =	shalt  }
0x87: {  	_ =	shalt  }
.Lfunc_end0:
.L_simem_size_0:
called_computation_lowered:
.L_overlay_start_0:
0x88: {  	s2 =	sld [smem:$0x3FD9]  }
0x89: {  	s3 =	sld [smem:$0x3FFE];
	_ =	sdelay $0x1  }
0x8a: {  	s1 =	srdreg.scid  }
0x8b: {  	s0 =	sand.u32 $0x1, s1  }
0x8c: {  	s17 =	sshll.u32 s0, $0xA;
	s2 =	sadd.s32 s3, s2  }
0x8d: {  	s2 =	sadd.s32 s2, s17  }
0x8e: {  	[smem:$0x3FC0] =	sst s2  }
0x8f: {  	_ = 	snop  }
0x90: {  	s2 =	sld [smem:$0x3FC8]  }
0x91: {  	s18 =	sld [smem:$0x3FD0];
	(tm) =	ssettm $0x1  }
0x92: {  	s4 =	sld [smem:$0x3FFB];
	_ =	sdelay $0x3  }
0x93: {  	_ =	strace s4  }
0x94: {  	s4 =	sld [smem:$0x3FFC];
	_ =	sdelay $0x3  }
0x95: {  	_ =	strace s4  }
0x96: {  	s4 =	sld [smem:$0x3FFD];
	_ =	sdelay $0x3  }
0x97: {  	_ =	strace s4  }
0x98: {  	_ =	strace $0x8FFFFFFF  }
0x99: {  	s19 =	sld [smem:$0x3FDB];
	_ =	sdelay $0x1  }
0x9a: {  	s5 =	simm.s32 $_scs_section_size  }
0x9b: {  	s6 =	simm.s32 $_size__tile_overlayer_lowered;
	s7 =	simm.s32 $_tile_overlayer_lowered  }
0x9c: {  	s22 =	simm.s32 $0x1BFF;
	s21 =	sshll.u32 s7, $0x1;
	s4 =	sadd.s32 s5, s19  }
0x9d: {  	s8 =	simm.s32 $0x0;
	s20 =	sshll.u32 s6, $0x1;
	s6 =	sadd.s32 s21, s4  }
0x9e: {  	[timem:s8], [sflag:s22] =	dma.local [hbm:s6], s20  }
0x9f: {  	_ =	swait.ge [sflag:s22], s20  }
0xa0: {  	s5 =	ssub.s32 $0x0, s20;
	[sflag:s22] =	ssyncset.done $0x0  }
0xa1: {  	[sflag:s22] =	ssyncadd.s32 s5;
	_ =	sdelay $0x1  }
0xa2: {  	s23 =	simm.s32 $0x1B8B  }
0xa3: {  	_ =	swait.ge [sflag:s23], $0x1  }
0xa4: {  	[sflag:s23] =	ssyncset.done $0x0  }
0xa5: {  	s25 =	simm.s32 $0x1B8E;
	s24 =	sld [smem:$0x3FFE];
	[sflag:s23] =	ssyncadd.s32 $0xFFFFFFFF  }
0xa6: {  	s26 =	simm.s32 $execute0_lowered;
	[smem:$0x3FD2] =	sst s25  }
0xa7: {  	s6 =	sshll.u32 s26, $0x1;
	_ =	strace $0x80000046;
	[dreg:$0x1] =	wrdreg $0xFFFFFFFF  }
0xa8: {  	s28 =	simm.s32 $_size_execute0_lowered;
	s4 =	sadd.s32 s4, s6;
	[dreg:$0x0] =	wrdreg $0x0  }
0xa9: {  	s6 =	sshll.u32 s28, $0x1;
	[dreg:$0x2] =	wrdreg s4  }
0xaa: {  	[dreg:$0x3] =	wrdreg s6  }
0xab: {  	[dreg:$0x4] =	wrdreg $0xC0  }
0xac: {  	_ =	task [dreg:s8], $0x5FFFF  }
0xad: {  	[dreg:$0x1] =	wrdreg $0xFFFFFFFF  }
0xae: {  	[dreg:$0x0] =	wrdreg $0x60  }
0xaf: {  	[dreg:$0x2] =	wrdreg s24  }
0xb0: {  	[dreg:$0x3] =	wrdreg s2  }
0xb1: {  	[dreg:$0x4] =	wrdreg s18  }
0xb2: {  	[dreg:$0x5] =	wrdreg $0xC000  }
0xb3: {  	[dreg:$0x6] =	wrdreg $0xC080  }
0xb4: {  	[dreg:$0x7] =	wrdreg $0x9  }
0xb5: {  	_ =	task.clear_ibuf [dreg:s8], $0x8FFFF;
	_ =	strace $0x90000046  }
0xb6: {  	s29 =	simm.s32 $0x9;
	_ =	strace $0x80000048  }
0xb7: {  	_ =	swait.ge [sflag:s29], $0x1  }
0xb8: {  	[sflag:s29] =	ssyncadd.s32 $0xFFFFFFFF  }
0xb9: {  	_ =	strace $0x90000048  }
0xba: {  	_ =	sfence  }
0xbb: {  	s30 =	sld [smem:$0x0];
	_ =	sdelay $0x2  }
0xbc: {  	s31 =	sshll.u32 s1, $0xD;
	s1 =	sshrl.u32 s1, $0x2  }
0xbd: {  	s3 =	sand.u32 $0x4000, s31;
	s1 =	sadd.s32 s1, s30  }
0xbe: {  	s0 =	sor.u32 s3, s0;
	s1 =	sshll.u32 s1, $0x11  }
0xbf: {  	s0 =	sor.u32 s1, s0  }
0xc0: {  	s0 =	sadd.s32 $0x8F2B, s0  }
0xc1: {  	[sflag:s0] =	ssyncadd.remote.s32 $0x1  }
0xc2: {  	_ =	sfence.sel $0xFFFF  }
0xc3: {  	[dreg:$0x0] =	wrdreg $0xFFFFFFFF;
	(pc) =	sbr.abs _section_cstart, $3  }
0xc4: {  	[dreg:$0x1] =	wrdreg $0xFFFFFFFF  }
0xc5: {  	_ =	task.clear_ibuf [dreg:s8], $0x2FFFF;
	_ =	strace $0x9FFFFFFF  }
0xc6: {  	(tm) =	ssettm $0x7FFFFFFF  }
0xc7: {  	_ =	shalt  }
tec
execute0_lowered:
.L_overlay_start_1:
0x0: {  	(tag) =	ssettag $0x1  }
0x1: {  	s2 =	srdreg.scid  }
0x2: {  	s5 =	rddreg [dreg:$0x0];
	s2 =	sand.u32 $0x1, s2  }
0x3: {  	s6 =	rddreg [dreg:$0x1];
	p0 =	seq.s32 s2, $0x1  }
.Ltmp0:
0x4: {  	s1 =	rddreg [dreg:$0x2];
	(pc) =	sbr.rel @p0 .LBB2_4-.Ltmp0, $4  }
0x5: {  	s4 =	rddreg [dreg:$0x3]  }
0x6: {  	s3 =	rddreg [dreg:$0x4];
	s7 =	simm.s32 $0x0  }
0x7: {  	[smem:$0x7FF] =	sst s7  }
0x8: {  	s0 =	rddreg [dreg:$0x5];
	_ =	strace $0x80000047;
	s2 =	stileid.u32  }
0x9: {  	s8 =	sadd.s32 $0x800, s5;
	s9 =	sshll.u32 s2, $0x7  }
0xa: {  	s30 =	simm.s32 $0x1;
	s8 =	sadd.s32 s8, s9  }
0xb: {  	[tilespmem:s7], [sflag:$0x1] =	stream.linear.gather [hbm4b:s8+s7], $0x400, $0x38;
	[tilespmem:$0xC10] =	vst v63  }
0xc: {  	_ =	swait.ge [sflag:s30], $0x400  }
0xd: {  	[sflag:s30] =	ssyncset.done $0x0  }
0xe: {  	s31 =	simm.s32 $0x400;
	s6 =	sadd.s32 s6, s9;
	[sflag:s30] =	ssyncadd.s32 $0xFFFFFC00  }
0xf: {  	[tilespmem:s31], [sflag:$0x1] =	stream.linear.gather [hbm4b:s6+s7], $0x400, $0x38;
	[tilespmem:$0xC10] =	vst v63  }
0x10: {  	_ =	swait.ge [sflag:s30], $0x400  }
0x11: {  	[sflag:s30] =	ssyncset.done $0x0  }
0x12: {  	v0 =	vimm.f32 $0.0e+00;
	[sflag:s30] =	ssyncadd.s32 $0xFFFFFC00  }
0x13: {  	[tilespmem:$0x800] =	vst v0  }
0x14: {  	[tilespmem:$0x900] =	vst v0  }
0x15: {  	[tilespmem:$0x810] =	vst v0  }
0x16: {  	[tilespmem:$0x910] =	vst v0  }
0x17: {  	[tilespmem:$0x820] =	vst v0  }
0x18: {  	[tilespmem:$0x920] =	vst v0  }
0x19: {  	[tilespmem:$0x830] =	vst v0  }
0x1a: {  	[tilespmem:$0x930] =	vst v0  }
0x1b: {  	[tilespmem:$0x840] =	vst v0  }
0x1c: {  	[tilespmem:$0x940] =	vst v0  }
0x1d: {  	[tilespmem:$0x850] =	vst v0  }
0x1e: {  	[tilespmem:$0x950] =	vst v0  }
0x1f: {  	[tilespmem:$0x860] =	vst v0  }
0x20: {  	[tilespmem:$0x960] =	vst v0  }
0x21: {  	[tilespmem:$0x870] =	vst v0  }
0x22: {  	[tilespmem:$0x970] =	vst v0  }
0x23: {  	[tilespmem:$0x880] =	vst v0  }
0x24: {  	[tilespmem:$0x980] =	vst v0  }
0x25: {  	[tilespmem:$0x890] =	vst v0  }
0x26: {  	[tilespmem:$0x990] =	vst v0  }
0x27: {  	[tilespmem:$0x8A0] =	vst v0  }
0x28: {  	[tilespmem:$0x9A0] =	vst v0  }
0x29: {  	[tilespmem:$0x8B0] =	vst v0  }
0x2a: {  	[tilespmem:$0x9B0] =	vst v0  }
0x2b: {  	[tilespmem:$0x8C0] =	vst v0  }
0x2c: {  	[tilespmem:$0x9C0] =	vst v0  }
0x2d: {  	[tilespmem:$0x8D0] =	vst v0  }
0x2e: {  	[tilespmem:$0x9D0] =	vst v0  }
0x2f: {  	[tilespmem:$0x8E0] =	vst v0  }
0x30: {  	[tilespmem:$0x9E0] =	vst v0  }
0x31: {  	[tilespmem:$0x8F0] =	vst v0  }
0x32: {  	s5 =	sadd.s32 $0x1000, s5;
	s9 =	simm.s32 $0x0;
	[tilespmem:$0x9F0] =	vst v0  }
0x33: {  	v1 =	vlaneseq.u32;
	s8 =	simm.s32 $0x40;
	s6 =	simm.s32 $0x800;
	s7 =	simm.s32 $0x900;
	v0 =	vimm.f32 $1.000000000e+00;
	v2 =	vld [tilespmem:s9+$0x400]  }
.LBB2_2:
0x34: {  	p0 =	sne.s32 s8, $0xFC0;
	_ =	sdelay $0x3  }
0x35: {  	v2 =	vshll.u32 v2, $0x4  }
0x36: {  	v3 =	vld [tilespmem:s9+$0x0];
	v2 =	vor.u32 v1, v2;
	_ =	sdelay $0x2  }
.Ltmp1:
0x37: {  	(pc) =	sbr.rel @p0 .LBB2_2-.Ltmp1, $4  }
0x38: {  	_ = 	snop  }
0x39: {  	[tilespmem:v2+s6+$0x0] =	vst.idx.add.f32.msk $0xffff, v3  }
0x3a: {  	s9 =	sshra.s32 s8, $0x2;
	[tilespmem:v2+s7+$0x0] =	vst.idx.add.f32.msk $0xffff, v0  }
0x3b: {  	s8 =	sadd.s32 $0x40, s8;
	v2 =	vld [tilespmem:s9+$0x400]  }
0x3c: {  	_ =	sdelay $0x3  }
0x3d: {  	v2 =	vshll.u32 v2, $0x4  }
0x3e: {  	v3 =	vld [tilespmem:s9+$0x0];
	v41 =	vlaneseq.u32;
	v1 =	vor.u32 v1, v2  }
0x3f: {  	v4 =	vmul.u32 $0x10, v41;
	_ =	sdelay $0x2  }
0x40: {  	v5 =	vor.u32 $0x1, v4  }
0x41: {  	[tilespmem:v1+s6+$0x0] =	vst.idx.add.f32.msk $0xffff, v3  }
0x42: {  	s28 =	simm.s32 $0x800;
	v42 =	vor.u32 $0x2, v4;
	[tilespmem:v1+s7+$0x0] =	vst.idx.add.f32.msk $0xffff, v0  }
0x43: {  	s29 =	simm.s32 $0x900;
	v1 =	vld.idx.msk [tilespmem:v4+s28+$0x0], $0xffff  }
0x44: {  	v6 =	vor.u32 $0x3, v4;
	v3 =	vld.idx.msk [tilespmem:v4+s29+$0x0], $0xffff  }
0x45: {  	v7 =	vld.idx.msk [tilespmem:v5+s28+$0x0], $0xffff  }
0x46: {  	v8 =	vor.u32 $0x4, v4;
	v5 =	vld.idx.msk [tilespmem:v5+s29+$0x0], $0xffff  }
0x47: {  	v9 =	vld.idx.msk [tilespmem:v42+s28+$0x0], $0xffff  }
0x48: {  	v10 =	vor.u32 $0x5, v4;
	v0 =	vld.idx.msk [tilespmem:v42+s29+$0x0], $0xffff  }
0x49: {  	v11 =	vld.idx.msk [tilespmem:v6+s28+$0x0], $0xffff  }
0x4a: {  	v12 =	vor.u32 $0x6, v4;
	v6 =	vld.idx.msk [tilespmem:v6+s29+$0x0], $0xffff  }
0x4b: {  	v13 =	vld.idx.msk [tilespmem:v8+s28+$0x0], $0xffff  }
0x4c: {  	v14 =	vor.u32 $0x7, v4;
	v8 =	vld.idx.msk [tilespmem:v8+s29+$0x0], $0xffff;
	v1 =	vadd.f32 $0.0e+00, v1  }
0x4d: {  	v15 =	vld.idx.msk [tilespmem:v10+s28+$0x0], $0xffff;
	v3 =	vadd.f32 $0.0e+00, v3  }
0x4e: {  	v16 =	vor.u32 $0x8, v4;
	v10 =	vld.idx.msk [tilespmem:v10+s29+$0x0], $0xffff;
	v1 =	vadd.f32 v7, v1  }
0x4f: {  	v17 =	vld.idx.msk [tilespmem:v12+s28+$0x0], $0xffff;
	v3 =	vadd.f32 v5, v3  }
0x50: {  	v44 =	vor.u32 $0x9, v4;
	v43 =	vld.idx.msk [tilespmem:v12+s29+$0x0], $0xffff;
	v1 =	vadd.f32 v9, v1  }
0x51: {  	v45 =	vld.idx.msk [tilespmem:v14+s28+$0x0], $0xffff;
	v0 =	vadd.f32 v0, v3  }
0x52: {  	v47 =	vor.u32 $0xA, v4;
	v46 =	vld.idx.msk [tilespmem:v14+s29+$0x0], $0xffff;
	v1 =	vadd.f32 v11, v1  }
0x53: {  	v48 =	vld.idx.msk [tilespmem:v16+s28+$0x0], $0xffff;
	v0 =	vadd.f32 v6, v0  }
0x54: {  	v50 =	vor.u32 $0xB, v4;
	v49 =	vld.idx.msk [tilespmem:v16+s29+$0x0], $0xffff;
	v1 =	vadd.f32 v13, v1  }
0x55: {  	v51 =	vld.idx.msk [tilespmem:v44+s28+$0x0], $0xffff;
	v0 =	vadd.f32 v8, v0  }
0x56: {  	v52 =	vor.u32 $0xC, v4;
	v12 =	vld.idx.msk [tilespmem:v44+s29+$0x0], $0xffff;
	v1 =	vadd.f32 v15, v1  }
0x57: {  	v53 =	vld.idx.msk [tilespmem:v47+s28+$0x0], $0xffff;
	v0 =	vadd.f32 v10, v0  }
0x58: {  	v54 =	vor.u32 $0xD, v4;
	v14 =	vld.idx.msk [tilespmem:v47+s29+$0x0], $0xffff;
	v1 =	vadd.f32 v17, v1  }
0x59: {  	v55 =	vld.idx.msk [tilespmem:v50+s28+$0x0], $0xffff;
	v0 =	vadd.f32 v43, v0  }
0x5a: {  	v56 =	vor.u32 $0xE, v4;
	v16 =	vld.idx.msk [tilespmem:v50+s29+$0x0], $0xffff;
	v1 =	vadd.f32 v45, v1  }
0x5b: {  	v57 =	vld.idx.msk [tilespmem:v52+s28+$0x0], $0xffff;
	v0 =	vadd.f32 v46, v0  }
0x5c: {  	v58 =	vld.idx.msk [tilespmem:v52+s29+$0x0], $0xffff;
	v4 =	vor.u32 $0xF, v4;
	v1 =	vadd.f32 v48, v1  }
0x5d: {  	v59 =	vld.idx.msk [tilespmem:v54+s28+$0x0], $0xffff;
	v0 =	vadd.f32 v49, v0  }
0x5e: {  	v60 =	vld.idx.msk [tilespmem:v54+s29+$0x0], $0xffff;
	v1 =	vadd.f32 v51, v1  }
0x5f: {  	v61 =	vld.idx.msk [tilespmem:v56+s28+$0x0], $0xffff;
	v0 =	vadd.f32 v12, v0  }
0x60: {  	p0 =	sne.s32 s2, $0x0;
	v62 =	vld.idx.msk [tilespmem:v56+s29+$0x0], $0xffff;
	v1 =	vadd.f32 v53, v1  }
0x61: {  	v63 =	vld.idx.msk [tilespmem:v4+s28+$0x0], $0xffff;
	v8 =	vimm.f32 @!p0 $0.0e+00;
	v0 =	vadd.f32 v14, v0  }
0x62: {  	s6 =	simm.s32 @!p0 $0xB80;
	s7 =	simm.s32 @!p0 $0x1;
	v4 =	vld.idx.msk [tilespmem:v4+s29+$0x0], $0xffff;
	[tilespmem:$0xB80] =	vst @!p0 v8;
	v1 =	vadd.f32 v55, v1  }
0x63: {  	[spmem:s4] =	stream.linear.scatter @!p0 [tilespmem:s6], [sflag:$0x1], $0x80, $0x38;
	v0 =	vadd.f32 v16, v0;
	[tilespmem:$0xC10] =	vst v63  }
0x64: {  	_ =	swait.ge @!p0 [sflag:s7], $0x80;
	v1 =	vadd.f32 v57, v1  }
0x65: {  	[sflag:s7] =	ssyncset.done @!p0 $0x0;
	v0 =	vadd.f32 v58, v0  }
0x66: {  	[sflag:s7] =	ssyncadd.s32 @!p0 $0xFFFFFF80;
	v1 =	vadd.f32 v59, v1  }
0x67: {  	[spmem:s3] =	stream.linear.scatter @!p0 [tilespmem:s6], [sflag:$0x1], $0x80, $0x38;
	v0 =	vadd.f32 v60, v0;
	[tilespmem:$0xC10] =	vst v63  }
0x68: {  	_ =	swait.ge @!p0 [sflag:s7], $0x80;
	v1 =	vadd.f32 v61, v1  }
0x69: {  	[sflag:s7] =	ssyncset.done @!p0 $0x0;
	v0 =	vadd.f32 v62, v0  }
0x6a: {  	[sflag:s7] =	ssyncadd.s32 @!p0 $0xFFFFFF80;
	v1 =	vadd.f32 v63, v1  }
0x6b: {  	[bflag:$0x0] =	sbarrier.arrive $0xFFFF;
	v0 =	vadd.f32 v4, v0  }
0x6c: {  	[tilespmem:$0xA00] =	vst v1  }
0x6d: {  	vm0 =	vmmov $0xffff;
	s8 =	simm.s32 $0xA00;
	s30 =	simm.s32 $0x1;
	[tilespmem:$0xA80] =	vst v0  }
0x6e: {  	[spmem:s4] =	stream.indirect_vreg.scatter.add.f32 [tilespmem:s8], [sflag:$0x1], $0x1, v41, vm0, $0xb8;
	[tilespmem:$0xC10] =	vst v63  }
0x6f: {  	_ =	swait.ge [sflag:s30], $0x10  }
0x70: {  	[sflag:s30] =	ssyncset.done $0x0  }
0x71: {  	s31 =	simm.s32 $0xA80;
	[sflag:s30] =	ssyncadd.s32 $0xFFFFFFF0  }
0x72: {  	[spmem:s3] =	stream.indirect_vreg.scatter.add.f32 [tilespmem:s31], [sflag:$0x1], $0x1, v41, vm0, $0xb8;
	[tilespmem:$0xC10] =	vst v63  }
0x73: {  	_ =	swait.ge [sflag:s30], $0x10  }
0x74: {  	[sflag:s30] =	ssyncset.done $0x0  }
0x75: {  	[sflag:s30] =	ssyncadd.s32 $0xFFFFFFF0  }
0x76: {  	s8 =	simm.s32 @!p0 $0xA00;
	[bflag:$0x0] =	sbarrier.arrive $0xFFFF  }
0x77: {  	[tilespmem:s8], [sflag:$0x1] =	stream.linear.gather @!p0 [spmem:s4], $0x80, $0x38;
	[tilespmem:$0xC10] =	vst v63  }
0x78: {  	_ =	swait.ge @!p0 [sflag:s7], $0x80  }
0x79: {  	[sflag:s7] =	ssyncset.done @!p0 $0x0  }
0x7a: {  	s4 =	simm.s32 @!p0 $0xA80;
	[sflag:s7] =	ssyncadd.s32 @!p0 $0xFFFFFF80  }
0x7b: {  	[tilespmem:s4], [sflag:$0x1] =	stream.linear.gather @!p0 [spmem:s3], $0x80, $0x38;
	[tilespmem:$0xC10] =	vst v63  }
0x7c: {  	_ =	swait.ge @!p0 [sflag:s7], $0x80  }
0x7d: {  	[sflag:s7] =	ssyncset.done @!p0 $0x0  }
0x7e: {  	s3 =	simm.s32 @!p0 $0x0;
	s4 =	simm.s32 @!p0 $0xB00;
	[sflag:s7] =	ssyncadd.s32 @!p0 $0xFFFFFF80  }
0x7f: {  	[tilespmem:s4], [sflag:$0x1] =	stream.linear.gather @!p0 [hbm4b:s5+s3], $0x80, $0x38;
	[tilespmem:$0xC10] =	vst v63  }
0x80: {  	_ =	swait.ge @!p0 [sflag:s7], $0x80  }
0x81: {  	[sflag:s7] =	ssyncset.done @!p0 $0x0  }
0x82: {  	[sflag:s7] =	ssyncadd.s32 @!p0 $0xFFFFFF80  }
0x83: {  	v0 =	vld @!p0 [tilespmem:$0xA80];
	_ =	sdelay $0x4  }
0x84: {  	v0 =	vmax.f32 @!p0 v0, $1.000000000e+00  }
0x85: {  	(erf) = vrcp.f32 @!p0 v0;
	_ =	sdelay $0x4  }
0x86: {  	v0 =	vld @!p0 [tilespmem:$0xA00];
	_ =	sdelay $0x1  }
0x87: {  	v1 =	vld @!p0 [tilespmem:$0xB00];
	_ =	sdelay $0x1  }
0x88: {  	v2 =	vpop @!p0 (erf)  }
0x89: {  	v0 =	vmul.f32 @!p0 v2, v0;
	_ =	sdelay $0x1  }
0x8a: {  	v0 =	vadd.f32 @!p0 v0, v1;
	_ =	sdelay $0x1  }
0x8b: {  	[tilespmem:$0xB80] =	vst @!p0 v0  }
0x8c: {  	[hbm4b:s1+s3] =	stream.linear.scatter @!p0 [tilespmem:s6], [sflag:$0x1], $0x80, $0x38;
	[tilespmem:$0xC10] =	vst v63  }
0x8d: {  	_ =	swait.ge @!p0 [sflag:s7], $0x80  }
0x8e: {  	[sflag:s7] =	ssyncset.done @!p0 $0x0  }
0x8f: {  	[sflag:s7] =	ssyncadd.s32 @!p0 $0xFFFFFF80  }
.LBB2_4:
0x90: {  	_ =	sfence.sel $0x180000  }
0x91: {  	[bflag:$0x0] =	sbarrier.arrive $0xFFFF  }
0x92: {  	p0 =	sne.s32 s2, $0x0;
	_ =	strace $0x90000047  }
0x93: {  	s0 =	sadd.s32 @!p0 $0x100000, s0;
	[bflag:$0x2] =	sbarrier.arrive $0xFFFF  }
0x94: {  	[sflag:s0] =	ssyncadd.tile.s32 @!p0 $0x1;
	_ =	shalt  }
.Lfunc_end2:
_tile_overlayer_lowered:
.L_overlay_start_2:
0x95: {  	(tag) =	ssettag $0x2  }
0x96: {  	s0 =	rddreg [dreg:$0x0];
	s2 =	stileid.u32  }
0x97: {  	s1 =	rddreg [dreg:$0x1];
	p0 =	sne.s32 s2, $0x0  }
0x98: {  	s3 =	rddreg [dreg:$0x2];
	[bflag:$0x3] =	sbarrier.arrive $0xFFFF;
	s2 =	simm.s32 @!p0 $0x1C01  }
0x99: {  	[timem:s3], [sflag:s2] =	dma.local @!p0 [hbm:s0], s1  }
0x9a: {  	s0 =	simm.s32 @!p0 $0x1  }
0x9b: {  	_ =	swait.ge @!p0 [sflag:s0], s1  }
0x9c: {  	s1 =	ssub.s32 @!p0 $0x0, s1;
	[sflag:s0] =	ssyncset.done @!p0 $0x0  }
0x9d: {  	[sflag:s0] =	ssyncadd.s32 @!p0 s1  }
0x9e: {  	[bflag:$0x3] =	sbarrier.arrive $0xFFFF  }
0x9f: {  	_ =	shalt  }

</sc_bundles>
